<compile_context>
chip_gen: v7x
topology: tpu7x:2x2x1
jax: 0.10.2.dev20260603
libtpu: 0.0.44.dev20260713+nightly
codegen_flags: <defaults>
</compile_context>

<pallas_src>
import functools

import jax
import jax.numpy as jnp
from jax import lax
from jax.experimental import pallas as pl
from jax.experimental.pallas import tpu as pltpu
from jax.experimental.pallas import tpu_sc as plsc

NUM_CORES = 2
NUM_SUBCORES = 16
NW = NUM_CORES * NUM_SUBCORES

CHUNK = 128
LANE = 16


@functools.partial(jax.jit, static_argnames=("v", "dp"))
def _gather_rows(idx, table_pad, *, v, dp):
    nw, n_chunks, _ = idx.shape
    n = nw * n_chunks * CHUNK
    mesh = plsc.VectorSubcoreMesh(core_axis_name="c", subcore_axis_name="s")

    @functools.partial(
        pl.kernel,
        out_type=jax.ShapeDtypeStruct((n, dp), jnp.float32),
        mesh=mesh,
        scratch_types=[
            pltpu.VMEM((n_chunks, CHUNK), jnp.int32),
            pltpu.VMEM((2, CHUNK, dp), jnp.float32),
            pltpu.SemaphoreType.DMA((2,)),
            pltpu.SemaphoreType.DMA((2,)),
        ],
        compiler_params=pltpu.CompilerParams(use_tc_tiling_on_sc=False),
    )
    def run(idx_hbm, table_hbm, out_hbm, idx_v, bufs, gsem, wsem):
        wid = lax.axis_index("s") * NUM_CORES + lax.axis_index("c")
        base = wid * n_chunks * CHUNK
        pltpu.sync_copy(idx_hbm.at[wid], idx_v)

        def gather(i, b):
            return pltpu.make_async_copy(
                table_hbm.at[idx_v.at[i]], bufs.at[b], gsem.at[b]
            )

        def write(i, b):
            return pltpu.make_async_copy(
                bufs.at[b], out_hbm.at[pl.ds(base + i * CHUNK, CHUNK)], wsem.at[b]
            )

        for b in range(2):
            gather(b, b).start()

        def body(g, carry):
            for b in range(2):
                i = g * 2 + b
                gather(i, b).wait()
                write(i, b).start()
                nxt = i + 2

                @pl.when(nxt < n_chunks)
                def _():
                    write(i, b).wait()
                    gather(nxt, b).start()

            return carry

        lax.fori_loop(0, n_chunks // 2, body, 0)
        for b in range(2):
            write(0, b).wait()

    return run(idx, table_pad)


def kernel(x, table):
    b, l = x.shape
    v, d = table.shape
    n = b * l
    dp = (d + LANE - 1) // LANE * LANE
    idx = x.reshape(NW, n // (NW * CHUNK), CHUNK).astype(jnp.int32)
    table_pad = jnp.pad(table, ((0, 0), (0, dp - d)))
    out = _gather_rows(idx, table_pad, v=v, dp=dp)
    return out.reshape(b, l, dp)[:, None, :, :d]

# --- scband reference (transcript-rebuilt; emitter-appended) ---
"""Pipeline reference for scband-static-word-model-28999619183225 (READ-ONLY COPY).

The authoritative reference and input builder live on the scoring server;
editing this copy changes nothing except your own understanding.
"""

import jax, jax.numpy as jnp
import numpy as np

VOCAB = 100000
DIM = 300
BATCH = 4096
SEQ = 50


def setup_inputs(seed: int = 0) -> dict:
    key = jax.random.key(seed)
    k_idx, k_tab = jax.random.split(key)
    x = jax.random.randint(k_idx, (BATCH, SEQ), 0, VOCAB, dtype=jnp.int64)
    table = jax.random.normal(k_tab, (VOCAB, DIM), dtype=jnp.float32)
    # padding_idx=0 row is zeroed, matching nn.Embedding(padding_idx=0)
    table = table.at[0].set(0.0)
    return {"x": x, "table": table}


def reference(x, table):
    # batch = self.embedding(x); return batch.unsqueeze(1)
    batch = jnp.take(table, x, axis=0)  # [B, L, DIM]
    return batch[:, None, :, :]         # [B, 1, L, DIM]

if __name__ == "__main__":
    import jax
    _d = setup_inputs()
    print(jax.jit(kernel)(*tuple(_d.values())))

</pallas_src>

<mosaic_0001>
#map = affine_map<(d0, d1) -> (0, 0, 0)>
#map1 = affine_map<(d0, d1) -> (0, 0)>
module attributes {stable_mosaic.version = 14 : i64} {
  func.func @run(%arg0: i32, %arg1: i32, %arg2: memref<32x50x128xi32, #tpu.memory_space<hbm>>, %arg3: memref<100000x304xf32, #tpu.memory_space<hbm>>, %arg4: memref<204800x304xf32, #tpu.memory_space<hbm>>, %arg5: memref<50x128xi32, #tpu.memory_space<vmem>>, %arg6: memref<2x128x304xf32, #tpu.memory_space<vmem>>, %arg7: memref<2x!tpu.dma_semaphore, #tpu.memory_space<semaphore_mem>>, %arg8: memref<2x!tpu.dma_semaphore, #tpu.memory_space<semaphore_mem>>) attributes {dimension_semantics = [#tpu.dimension_semantics<core_parallel>, #tpu.dimension_semantics<subcore_parallel>], iteration_bounds = array<i64: 2, 16>, scalar_prefetch = 0 : i64, scratch_operands = 4 : i64, tpu.core_type = #tpu.core_type<sc_vector_subcore>, window_params = [{transform_indices = #map}, {transform_indices = #map1}, {transform_indices = #map1}]} {
    %mul3A = arith.constant 2 : i32
    %mul3A_0 = arith.muli %arg1, %mul3A : i32
    %add3A = arith.addi %mul3A_0, %arg0 : i32
    %mul3A_1 = arith.constant 50 : i32
    %mul3A_2 = arith.muli %add3A, %mul3A_1 : i32
    %mul3A_3 = arith.constant 128 : i32
    %mul3A_4 = arith.muli %mul3A_2, %mul3A_3 : i32
    "tpu.region"() ({
      %run_scoped3A = tpu.sem_alloc : memref<!tpu.dma_semaphore, #tpu.memory_space<semaphore_mem>>
      %dma_start3A_74 = arith.constant 0 : i32
      %dma_start3A_75 = arith.constant 0 : i32
      %dma_start3A_76 = tpu.memref_slice %arg2[%add3A, %dma_start3A_74, %dma_start3A_75] : memref<32x50x128xi32, #tpu.memory_space<hbm>> -> memref<1x50x128xi32, #tpu.memory_space<hbm>>
      %dma_start3A_77 = tpu.memref_squeeze %dma_start3A_76 : memref<1x50x128xi32, #tpu.memory_space<hbm>> -> memref<50x128xi32, #tpu.memory_space<hbm>>
      %dma_start3A_78 = arith.constant 0 : i32
      %dma_start3A_79 = arith.constant 0 : i32
      %dma_start3A_80 = tpu.memref_slice %arg2[%add3A, %dma_start3A_78, %dma_start3A_79] : memref<32x50x128xi32, #tpu.memory_space<hbm>> -> memref<1x50x128xi32, #tpu.memory_space<hbm>>
      %dma_start3A_81 = tpu.memref_squeeze %dma_start3A_80 : memref<1x50x128xi32, #tpu.memory_space<hbm>> -> memref<50x128xi32, #tpu.memory_space<hbm>>
      tpu.enqueue_dma source(%dma_start3A_81 : memref<50x128xi32, #tpu.memory_space<hbm>>) target(%arg5 : memref<50x128xi32, #tpu.memory_space<vmem>>) target_semaphore(%run_scoped3A : memref<!tpu.dma_semaphore, #tpu.memory_space<semaphore_mem>>)
      %dma_wait3A_82 = arith.constant 0 : i32
      %dma_wait3A_83 = arith.constant 0 : i32
      %dma_wait3A_84 = tpu.memref_slice %arg2[%add3A, %dma_wait3A_82, %dma_wait3A_83] : memref<32x50x128xi32, #tpu.memory_space<hbm>> -> memref<1x50x128xi32, #tpu.memory_space<hbm>>
      %dma_wait3A_85 = tpu.memref_squeeze %dma_wait3A_84 : memref<1x50x128xi32, #tpu.memory_space<hbm>> -> memref<50x128xi32, #tpu.memory_space<hbm>>
      %dma_wait3A_86 = arith.constant 0 : i32
      %dma_wait3A_87 = arith.constant 0 : i32
      %dma_wait3A_88 = tpu.memref_slice %arg2[%add3A, %dma_wait3A_86, %dma_wait3A_87] : memref<32x50x128xi32, #tpu.memory_space<hbm>> -> memref<1x50x128xi32, #tpu.memory_space<hbm>>
      %dma_wait3A_89 = tpu.memref_squeeze %dma_wait3A_88 : memref<1x50x128xi32, #tpu.memory_space<hbm>> -> memref<50x128xi32, #tpu.memory_space<hbm>>
      tpu.wait_dma2 semaphore(%run_scoped3A : memref<!tpu.dma_semaphore, #tpu.memory_space<semaphore_mem>>) src(%dma_wait3A_89 : memref<50x128xi32, #tpu.memory_space<hbm>>) dst(%arg5 : memref<50x128xi32, #tpu.memory_space<vmem>>)
      tpu.yield
    }) : () -> ()
    %dma_start3A = arith.constant 0 : i32
    %dma_start3A_5 = arith.constant 0 : i32
    %dma_start3A_6 = arith.constant 0 : i32
    %dma_start3A_7 = arith.constant 0 : i32
    %dma_start3A_8 = arith.constant 0 : i32
    %dma_start3A_9 = tpu.memref_slice %arg6[%dma_start3A_5, %dma_start3A_7, %dma_start3A_8] : memref<2x128x304xf32, #tpu.memory_space<vmem>> -> memref<1x128x304xf32, #tpu.memory_space<vmem>>
    %dma_start3A_10 = tpu.memref_squeeze %dma_start3A_9 : memref<1x128x304xf32, #tpu.memory_space<vmem>> -> memref<128x304xf32, #tpu.memory_space<vmem>>
    %dma_start3A_11 = arith.constant 0 : i32
    %dma_start3A_12 = tpu.memref_slice %arg5[%dma_start3A, %dma_start3A_11] : memref<50x128xi32, #tpu.memory_space<vmem>> -> memref<1x128xi32, #tpu.memory_space<vmem>>
    %dma_start3A_13 = tpu.memref_squeeze %dma_start3A_12 : memref<1x128xi32, #tpu.memory_space<vmem>> -> memref<128xi32, #tpu.memory_space<vmem>>
    %dma_start3A_14 = arith.constant 0 : i32
    %dma_start3A_15 = arith.constant 0 : i32
    %dma_start3A_16 = tpu.memref_slice %arg3[%dma_start3A_14, %dma_start3A_15] : memref<100000x304xf32, #tpu.memory_space<hbm>> -> memref<100000x304xf32, #tpu.memory_space<hbm>>
    %dma_start3A_17 = tpu.memref_slice %arg7[%dma_start3A_6] : memref<2x!tpu.dma_semaphore, #tpu.memory_space<semaphore_mem>> -> memref<1x!tpu.dma_semaphore, #tpu.memory_space<semaphore_mem>>
    %dma_start3A_18 = tpu.memref_squeeze %dma_start3A_17 : memref<1x!tpu.dma_semaphore, #tpu.memory_space<semaphore_mem>> -> memref<!tpu.dma_semaphore, #tpu.memory_space<semaphore_mem>>
    tpu.enqueue_indirect_dma source(%dma_start3A_16 : memref<100000x304xf32, #tpu.memory_space<hbm>>) target(%dma_start3A_10 : memref<128x304xf32, #tpu.memory_space<vmem>>) offsets(%dma_start3A_13 : memref<128xi32, #tpu.memory_space<vmem>>) semaphore(%dma_start3A_18 : memref<!tpu.dma_semaphore, #tpu.memory_space<semaphore_mem>>)
    %dma_start3A_19 = arith.constant 1 : i32
    %dma_start3A_20 = arith.constant 1 : i32
    %dma_start3A_21 = arith.constant 1 : i32
    %dma_start3A_22 = arith.constant 0 : i32
    %dma_start3A_23 = arith.constant 0 : i32
    %dma_start3A_24 = tpu.memref_slice %arg6[%dma_start3A_20, %dma_start3A_22, %dma_start3A_23] : memref<2x128x304xf32, #tpu.memory_space<vmem>> -> memref<1x128x304xf32, #tpu.memory_space<vmem>>
    %dma_start3A_25 = tpu.memref_squeeze %dma_start3A_24 : memref<1x128x304xf32, #tpu.memory_space<vmem>> -> memref<128x304xf32, #tpu.memory_space<vmem>>
    %dma_start3A_26 = arith.constant 0 : i32
    %dma_start3A_27 = tpu.memref_slice %arg5[%dma_start3A_19, %dma_start3A_26] : memref<50x128xi32, #tpu.memory_space<vmem>> -> memref<1x128xi32, #tpu.memory_space<vmem>>
    %dma_start3A_28 = tpu.memref_squeeze %dma_start3A_27 : memref<1x128xi32, #tpu.memory_space<vmem>> -> memref<128xi32, #tpu.memory_space<vmem>>
    %dma_start3A_29 = arith.constant 0 : i32
    %dma_start3A_30 = arith.constant 0 : i32
    %dma_start3A_31 = tpu.memref_slice %arg3[%dma_start3A_29, %dma_start3A_30] : memref<100000x304xf32, #tpu.memory_space<hbm>> -> memref<100000x304xf32, #tpu.memory_space<hbm>>
    %dma_start3A_32 = tpu.memref_slice %arg7[%dma_start3A_21] : memref<2x!tpu.dma_semaphore, #tpu.memory_space<semaphore_mem>> -> memref<1x!tpu.dma_semaphore, #tpu.memory_space<semaphore_mem>>
    %dma_start3A_33 = tpu.memref_squeeze %dma_start3A_32 : memref<1x!tpu.dma_semaphore, #tpu.memory_space<semaphore_mem>> -> memref<!tpu.dma_semaphore, #tpu.memory_space<semaphore_mem>>
    tpu.enqueue_indirect_dma source(%dma_start3A_31 : memref<100000x304xf32, #tpu.memory_space<hbm>>) target(%dma_start3A_25 : memref<128x304xf32, #tpu.memory_space<vmem>>) offsets(%dma_start3A_28 : memref<128xi32, #tpu.memory_space<vmem>>) semaphore(%dma_start3A_33 : memref<!tpu.dma_semaphore, #tpu.memory_space<semaphore_mem>>)
    %scan3A = arith.constant 0 : i32
    %scan3A_34 = arith.constant 0 : i32
    %scan3A_35 = arith.constant 25 : i32
    %scan3A_36 = arith.addi %scan3A_34, %scan3A_35 : i32
    %scan3A_37 = arith.constant 1 : i32
    scf.for %scan3A_74 = %scan3A_34 to %scan3A_36 step %scan3A_37  : i32 {
      %mul3A_75 = arith.constant 2 : i32
      %mul3A_76 = arith.muli %scan3A_74, %mul3A_75 : i32
      %add3A_77 = arith.constant 0 : i32
      %add3A_78 = arith.addi %mul3A_76, %add3A_77 : i32
      %dma_wait3A_79 = arith.constant 0 : i32
      %dma_wait3A_80 = arith.constant 0 : i32
      %dma_wait3A_81 = arith.constant 0 : i32
      %dma_wait3A_82 = arith.constant 0 : i32
      %dma_wait3A_83 = tpu.memref_slice %arg6[%dma_wait3A_79, %dma_wait3A_81, %dma_wait3A_82] : memref<2x128x304xf32, #tpu.memory_space<vmem>> -> memref<1x128x304xf32, #tpu.memory_space<vmem>>
      %dma_wait3A_84 = tpu.memref_squeeze %dma_wait3A_83 : memref<1x128x304xf32, #tpu.memory_space<vmem>> -> memref<128x304xf32, #tpu.memory_space<vmem>>
      %dma_wait3A_85 = arith.constant 0 : i32
      %dma_wait3A_86 = tpu.memref_slice %arg5[%add3A_78, %dma_wait3A_85] : memref<50x128xi32, #tpu.memory_space<vmem>> -> memref<1x128xi32, #tpu.memory_space<vmem>>
      %dma_wait3A_87 = tpu.memref_squeeze %dma_wait3A_86 : memref<1x128xi32, #tpu.memory_space<vmem>> -> memref<128xi32, #tpu.memory_space<vmem>>
      %dma_wait3A_88 = arith.constant 0 : i32
      %dma_wait3A_89 = arith.constant 0 : i32
      %dma_wait3A_90 = tpu.memref_slice %arg3[%dma_wait3A_88, %dma_wait3A_89] : memref<100000x304xf32, #tpu.memory_space<hbm>> -> memref<100000x304xf32, #tpu.memory_space<hbm>>
      %dma_wait3A_91 = tpu.memref_slice %arg7[%dma_wait3A_80] : memref<2x!tpu.dma_semaphore, #tpu.memory_space<semaphore_mem>> -> memref<1x!tpu.dma_semaphore, #tpu.memory_space<semaphore_mem>>
      %dma_wait3A_92 = tpu.memref_squeeze %dma_wait3A_91 : memref<1x!tpu.dma_semaphore, #tpu.memory_space<semaphore_mem>> -> memref<!tpu.dma_semaphore, #tpu.memory_space<semaphore_mem>>
      tpu.wait_indirect_dma semaphore(%dma_wait3A_92 : memref<!tpu.dma_semaphore, #tpu.memory_space<semaphore_mem>>) src(%dma_wait3A_90 : memref<100000x304xf32, #tpu.memory_space<hbm>>) dst(%dma_wait3A_84 : memref<128x304xf32, #tpu.memory_space<vmem>>)
      %mul3A_93 = arith.constant 128 : i32
      %mul3A_94 = arith.muli %add3A_78, %mul3A_93 : i32
      %add3A_95 = arith.addi %mul3A_4, %mul3A_94 : i32
      %dma_start3A_96 = arith.constant 0 : i32
      %dma_start3A_97 = arith.constant 0 : i32
      %dma_start3A_98 = arith.constant 0 : i32
      %dma_start3A_99 = arith.constant 0 : i32
      %dma_start3A_100 = tpu.memref_slice %arg6[%dma_start3A_96, %dma_start3A_98, %dma_start3A_99] : memref<2x128x304xf32, #tpu.memory_space<vmem>> -> memref<1x128x304xf32, #tpu.memory_space<vmem>>
      %dma_start3A_101 = tpu.memref_squeeze %dma_start3A_100 : memref<1x128x304xf32, #tpu.memory_space<vmem>> -> memref<128x304xf32, #tpu.memory_space<vmem>>
      %dma_start3A_102 = arith.constant 0 : i32
      %dma_start3A_103 = tpu.memref_slice %arg4[%add3A_95, %dma_start3A_102] : memref<204800x304xf32, #tpu.memory_space<hbm>> -> memref<128x304xf32, #tpu.memory_space<hbm>>
      %dma_start3A_104 = tpu.memref_slice %arg8[%dma_start3A_97] : memref<2x!tpu.dma_semaphore, #tpu.memory_space<semaphore_mem>> -> memref<1x!tpu.dma_semaphore, #tpu.memory_space<semaphore_mem>>
      %dma_start3A_105 = tpu.memref_squeeze %dma_start3A_104 : memref<1x!tpu.dma_semaphore, #tpu.memory_space<semaphore_mem>> -> memref<!tpu.dma_semaphore, #tpu.memory_space<semaphore_mem>>
      %dma_start3A_106 = arith.constant 0 : i32
      %dma_start3A_107 = tpu.memref_slice %arg4[%add3A_95, %dma_start3A_106] : memref<204800x304xf32, #tpu.memory_space<hbm>> -> memref<128x304xf32, #tpu.memory_space<hbm>>
      %dma_start3A_108 = arith.constant 0 : i32
      %dma_start3A_109 = arith.constant 0 : i32
      %dma_start3A_110 = tpu.memref_slice %arg6[%dma_start3A_96, %dma_start3A_108, %dma_start3A_109] : memref<2x128x304xf32, #tpu.memory_space<vmem>> -> memref<1x128x304xf32, #tpu.memory_space<vmem>>
      %dma_start3A_111 = tpu.memref_squeeze %dma_start3A_110 : memref<1x128x304xf32, #tpu.memory_space<vmem>> -> memref<128x304xf32, #tpu.memory_space<vmem>>
      tpu.enqueue_dma source(%dma_start3A_111 : memref<128x304xf32, #tpu.memory_space<vmem>>) target(%dma_start3A_107 : memref<128x304xf32, #tpu.memory_space<hbm>>) target_semaphore(%dma_start3A_105 : memref<!tpu.dma_semaphore, #tpu.memory_space<semaphore_mem>>)
      %add3A_112 = arith.constant 2 : i32
      %add3A_113 = arith.addi %add3A_78, %add3A_112 : i32
      %lt3A = arith.constant 50 : i32
      %lt3A_114 = arith.cmpi slt, %add3A_113, %lt3A : i32
      %convert_element_type3A = arith.extui %lt3A_114 : i1 to i32
      %cond3A = arith.constant 0 : i32
      %cond3A_115 = arith.cmpi ne, %convert_element_type3A, %cond3A : i32
      scf.if %cond3A_115 {
        %mul3A_160 = arith.constant 128 : i32
        %mul3A_161 = arith.muli %add3A_78, %mul3A_160 : i32
        %add3A_162 = arith.addi %mul3A_4, %mul3A_161 : i32
        %dma_wait3A_163 = arith.constant 0 : i32
        %dma_wait3A_164 = arith.constant 0 : i32
        %dma_wait3A_165 = arith.constant 0 : i32
        %dma_wait3A_166 = arith.constant 0 : i32
        %dma_wait3A_167 = tpu.memref_slice %arg6[%dma_wait3A_163, %dma_wait3A_165, %dma_wait3A_166] : memref<2x128x304xf32, #tpu.memory_space<vmem>> -> memref<1x128x304xf32, #tpu.memory_space<vmem>>
        %dma_wait3A_168 = tpu.memref_squeeze %dma_wait3A_167 : memref<1x128x304xf32, #tpu.memory_space<vmem>> -> memref<128x304xf32, #tpu.memory_space<vmem>>
        %dma_wait3A_169 = arith.constant 0 : i32
        %dma_wait3A_170 = tpu.memref_slice %arg4[%add3A_162, %dma_wait3A_169] : memref<204800x304xf32, #tpu.memory_space<hbm>> -> memref<128x304xf32, #tpu.memory_space<hbm>>
        %dma_wait3A_171 = tpu.memref_slice %arg8[%dma_wait3A_164] : memref<2x!tpu.dma_semaphore, #tpu.memory_space<semaphore_mem>> -> memref<1x!tpu.dma_semaphore, #tpu.memory_space<semaphore_mem>>
        %dma_wait3A_172 = tpu.memref_squeeze %dma_wait3A_171 : memref<1x!tpu.dma_semaphore, #tpu.memory_space<semaphore_mem>> -> memref<!tpu.dma_semaphore, #tpu.memory_space<semaphore_mem>>
        %dma_wait3A_173 = arith.constant 0 : i32
        %dma_wait3A_174 = tpu.memref_slice %arg4[%add3A_162, %dma_wait3A_173] : memref<204800x304xf32, #tpu.memory_space<hbm>> -> memref<128x304xf32, #tpu.memory_space<hbm>>
        %dma_wait3A_175 = arith.constant 0 : i32
        %dma_wait3A_176 = arith.constant 0 : i32
        %dma_wait3A_177 = tpu.memref_slice %arg6[%dma_wait3A_163, %dma_wait3A_175, %dma_wait3A_176] : memref<2x128x304xf32, #tpu.memory_space<vmem>> -> memref<1x128x304xf32, #tpu.memory_space<vmem>>
        %dma_wait3A_178 = tpu.memref_squeeze %dma_wait3A_177 : memref<1x128x304xf32, #tpu.memory_space<vmem>> -> memref<128x304xf32, #tpu.memory_space<vmem>>
        tpu.wait_dma2 semaphore(%dma_wait3A_172 : memref<!tpu.dma_semaphore, #tpu.memory_space<semaphore_mem>>) src(%dma_wait3A_178 : memref<128x304xf32, #tpu.memory_space<vmem>>) dst(%dma_wait3A_174 : memref<128x304xf32, #tpu.memory_space<hbm>>)
        %dma_start3A_179 = arith.constant 0 : i32
        %dma_start3A_180 = arith.constant 0 : i32
        %dma_start3A_181 = arith.constant 0 : i32
        %dma_start3A_182 = arith.constant 0 : i32
        %dma_start3A_183 = tpu.memref_slice %arg6[%dma_start3A_179, %dma_start3A_181, %dma_start3A_182] : memref<2x128x304xf32, #tpu.memory_space<vmem>> -> memref<1x128x304xf32, #tpu.memory_space<vmem>>
        %dma_start3A_184 = tpu.memref_squeeze %dma_start3A_183 : memref<1x128x304xf32, #tpu.memory_space<vmem>> -> memref<128x304xf32, #tpu.memory_space<vmem>>
        %dma_start3A_185 = arith.constant 0 : i32
        %dma_start3A_186 = tpu.memref_slice %arg5[%add3A_113, %dma_start3A_185] : memref<50x128xi32, #tpu.memory_space<vmem>> -> memref<1x128xi32, #tpu.memory_space<vmem>>
        %dma_start3A_187 = tpu.memref_squeeze %dma_start3A_186 : memref<1x128xi32, #tpu.memory_space<vmem>> -> memref<128xi32, #tpu.memory_space<vmem>>
        %dma_start3A_188 = arith.constant 0 : i32
        %dma_start3A_189 = arith.constant 0 : i32
        %dma_start3A_190 = tpu.memref_slice %arg3[%dma_start3A_188, %dma_start3A_189] : memref<100000x304xf32, #tpu.memory_space<hbm>> -> memref<100000x304xf32, #tpu.memory_space<hbm>>
        %dma_start3A_191 = tpu.memref_slice %arg7[%dma_start3A_180] : memref<2x!tpu.dma_semaphore, #tpu.memory_space<semaphore_mem>> -> memref<1x!tpu.dma_semaphore, #tpu.memory_space<semaphore_mem>>
        %dma_start3A_192 = tpu.memref_squeeze %dma_start3A_191 : memref<1x!tpu.dma_semaphore, #tpu.memory_space<semaphore_mem>> -> memref<!tpu.dma_semaphore, #tpu.memory_space<semaphore_mem>>
        tpu.enqueue_indirect_dma source(%dma_start3A_190 : memref<100000x304xf32, #tpu.memory_space<hbm>>) target(%dma_start3A_184 : memref<128x304xf32, #tpu.memory_space<vmem>>) offsets(%dma_start3A_187 : memref<128xi32, #tpu.memory_space<vmem>>) semaphore(%dma_start3A_192 : memref<!tpu.dma_semaphore, #tpu.memory_space<semaphore_mem>>)
      } else {
      }
      %mul3A_116 = arith.constant 2 : i32
      %mul3A_117 = arith.muli %scan3A_74, %mul3A_116 : i32
      %add3A_118 = arith.constant 1 : i32
      %add3A_119 = arith.addi %mul3A_117, %add3A_118 : i32
      %dma_wait3A_120 = arith.constant 1 : i32
      %dma_wait3A_121 = arith.constant 1 : i32
      %dma_wait3A_122 = arith.constant 0 : i32
      %dma_wait3A_123 = arith.constant 0 : i32
      %dma_wait3A_124 = tpu.memref_slice %arg6[%dma_wait3A_120, %dma_wait3A_122, %dma_wait3A_123] : memref<2x128x304xf32, #tpu.memory_space<vmem>> -> memref<1x128x304xf32, #tpu.memory_space<vmem>>
      %dma_wait3A_125 = tpu.memref_squeeze %dma_wait3A_124 : memref<1x128x304xf32, #tpu.memory_space<vmem>> -> memref<128x304xf32, #tpu.memory_space<vmem>>
      %dma_wait3A_126 = arith.constant 0 : i32
      %dma_wait3A_127 = tpu.memref_slice %arg5[%add3A_119, %dma_wait3A_126] : memref<50x128xi32, #tpu.memory_space<vmem>> -> memref<1x128xi32, #tpu.memory_space<vmem>>
      %dma_wait3A_128 = tpu.memref_squeeze %dma_wait3A_127 : memref<1x128xi32, #tpu.memory_space<vmem>> -> memref<128xi32, #tpu.memory_space<vmem>>
      %dma_wait3A_129 = arith.constant 0 : i32
      %dma_wait3A_130 = arith.constant 0 : i32
      %dma_wait3A_131 = tpu.memref_slice %arg3[%dma_wait3A_129, %dma_wait3A_130] : memref<100000x304xf32, #tpu.memory_space<hbm>> -> memref<100000x304xf32, #tpu.memory_space<hbm>>
      %dma_wait3A_132 = tpu.memref_slice %arg7[%dma_wait3A_121] : memref<2x!tpu.dma_semaphore, #tpu.memory_space<semaphore_mem>> -> memref<1x!tpu.dma_semaphore, #tpu.memory_space<semaphore_mem>>
      %dma_wait3A_133 = tpu.memref_squeeze %dma_wait3A_132 : memref<1x!tpu.dma_semaphore, #tpu.memory_space<semaphore_mem>> -> memref<!tpu.dma_semaphore, #tpu.memory_space<semaphore_mem>>
      tpu.wait_indirect_dma semaphore(%dma_wait3A_133 : memref<!tpu.dma_semaphore, #tpu.memory_space<semaphore_mem>>) src(%dma_wait3A_131 : memref<100000x304xf32, #tpu.memory_space<hbm>>) dst(%dma_wait3A_125 : memref<128x304xf32, #tpu.memory_space<vmem>>)
      %mul3A_134 = arith.constant 128 : i32
      %mul3A_135 = arith.muli %add3A_119, %mul3A_134 : i32
      %add3A_136 = arith.addi %mul3A_4, %mul3A_135 : i32
      %dma_start3A_137 = arith.constant 1 : i32
      %dma_start3A_138 = arith.constant 1 : i32
      %dma_start3A_139 = arith.constant 0 : i32
      %dma_start3A_140 = arith.constant 0 : i32
      %dma_start3A_141 = tpu.memref_slice %arg6[%dma_start3A_137, %dma_start3A_139, %dma_start3A_140] : memref<2x128x304xf32, #tpu.memory_space<vmem>> -> memref<1x128x304xf32, #tpu.memory_space<vmem>>
      %dma_start3A_142 = tpu.memref_squeeze %dma_start3A_141 : memref<1x128x304xf32, #tpu.memory_space<vmem>> -> memref<128x304xf32, #tpu.memory_space<vmem>>
      %dma_start3A_143 = arith.constant 0 : i32
      %dma_start3A_144 = tpu.memref_slice %arg4[%add3A_136, %dma_start3A_143] : memref<204800x304xf32, #tpu.memory_space<hbm>> -> memref<128x304xf32, #tpu.memory_space<hbm>>
      %dma_start3A_145 = tpu.memref_slice %arg8[%dma_start3A_138] : memref<2x!tpu.dma_semaphore, #tpu.memory_space<semaphore_mem>> -> memref<1x!tpu.dma_semaphore, #tpu.memory_space<semaphore_mem>>
      %dma_start3A_146 = tpu.memref_squeeze %dma_start3A_145 : memref<1x!tpu.dma_semaphore, #tpu.memory_space<semaphore_mem>> -> memref<!tpu.dma_semaphore, #tpu.memory_space<semaphore_mem>>
      %dma_start3A_147 = arith.constant 0 : i32
      %dma_start3A_148 = tpu.memref_slice %arg4[%add3A_136, %dma_start3A_147] : memref<204800x304xf32, #tpu.memory_space<hbm>> -> memref<128x304xf32, #tpu.memory_space<hbm>>
      %dma_start3A_149 = arith.constant 0 : i32
      %dma_start3A_150 = arith.constant 0 : i32
      %dma_start3A_151 = tpu.memref_slice %arg6[%dma_start3A_137, %dma_start3A_149, %dma_start3A_150] : memref<2x128x304xf32, #tpu.memory_space<vmem>> -> memref<1x128x304xf32, #tpu.memory_space<vmem>>
      %dma_start3A_152 = tpu.memref_squeeze %dma_start3A_151 : memref<1x128x304xf32, #tpu.memory_space<vmem>> -> memref<128x304xf32, #tpu.memory_space<vmem>>
      tpu.enqueue_dma source(%dma_start3A_152 : memref<128x304xf32, #tpu.memory_space<vmem>>) target(%dma_start3A_148 : memref<128x304xf32, #tpu.memory_space<hbm>>) target_semaphore(%dma_start3A_146 : memref<!tpu.dma_semaphore, #tpu.memory_space<semaphore_mem>>)
      %add3A_153 = arith.constant 2 : i32
      %add3A_154 = arith.addi %add3A_119, %add3A_153 : i32
      %lt3A_155 = arith.constant 50 : i32
      %lt3A_156 = arith.cmpi slt, %add3A_154, %lt3A_155 : i32
      %convert_element_type3A_157 = arith.extui %lt3A_156 : i1 to i32
      %cond3A_158 = arith.constant 0 : i32
      %cond3A_159 = arith.cmpi ne, %convert_element_type3A_157, %cond3A_158 : i32
      scf.if %cond3A_159 {
        %mul3A_160 = arith.constant 128 : i32
        %mul3A_161 = arith.muli %add3A_119, %mul3A_160 : i32
        %add3A_162 = arith.addi %mul3A_4, %mul3A_161 : i32
        %dma_wait3A_163 = arith.constant 1 : i32
        %dma_wait3A_164 = arith.constant 1 : i32
        %dma_wait3A_165 = arith.constant 0 : i32
        %dma_wait3A_166 = arith.constant 0 : i32
        %dma_wait3A_167 = tpu.memref_slice %arg6[%dma_wait3A_163, %dma_wait3A_165, %dma_wait3A_166] : memref<2x128x304xf32, #tpu.memory_space<vmem>> -> memref<1x128x304xf32, #tpu.memory_space<vmem>>
        %dma_wait3A_168 = tpu.memref_squeeze %dma_wait3A_167 : memref<1x128x304xf32, #tpu.memory_space<vmem>> -> memref<128x304xf32, #tpu.memory_space<vmem>>
        %dma_wait3A_169 = arith.constant 0 : i32
        %dma_wait3A_170 = tpu.memref_slice %arg4[%add3A_162, %dma_wait3A_169] : memref<204800x304xf32, #tpu.memory_space<hbm>> -> memref<128x304xf32, #tpu.memory_space<hbm>>
        %dma_wait3A_171 = tpu.memref_slice %arg8[%dma_wait3A_164] : memref<2x!tpu.dma_semaphore, #tpu.memory_space<semaphore_mem>> -> memref<1x!tpu.dma_semaphore, #tpu.memory_space<semaphore_mem>>
        %dma_wait3A_172 = tpu.memref_squeeze %dma_wait3A_171 : memref<1x!tpu.dma_semaphore, #tpu.memory_space<semaphore_mem>> -> memref<!tpu.dma_semaphore, #tpu.memory_space<semaphore_mem>>
        %dma_wait3A_173 = arith.constant 0 : i32
        %dma_wait3A_174 = tpu.memref_slice %arg4[%add3A_162, %dma_wait3A_173] : memref<204800x304xf32, #tpu.memory_space<hbm>> -> memref<128x304xf32, #tpu.memory_space<hbm>>
        %dma_wait3A_175 = arith.constant 0 : i32
        %dma_wait3A_176 = arith.constant 0 : i32
        %dma_wait3A_177 = tpu.memref_slice %arg6[%dma_wait3A_163, %dma_wait3A_175, %dma_wait3A_176] : memref<2x128x304xf32, #tpu.memory_space<vmem>> -> memref<1x128x304xf32, #tpu.memory_space<vmem>>
        %dma_wait3A_178 = tpu.memref_squeeze %dma_wait3A_177 : memref<1x128x304xf32, #tpu.memory_space<vmem>> -> memref<128x304xf32, #tpu.memory_space<vmem>>
        tpu.wait_dma2 semaphore(%dma_wait3A_172 : memref<!tpu.dma_semaphore, #tpu.memory_space<semaphore_mem>>) src(%dma_wait3A_178 : memref<128x304xf32, #tpu.memory_space<vmem>>) dst(%dma_wait3A_174 : memref<128x304xf32, #tpu.memory_space<hbm>>)
        %dma_start3A_179 = arith.constant 1 : i32
        %dma_start3A_180 = arith.constant 1 : i32
        %dma_start3A_181 = arith.constant 0 : i32
        %dma_start3A_182 = arith.constant 0 : i32
        %dma_start3A_183 = tpu.memref_slice %arg6[%dma_start3A_179, %dma_start3A_181, %dma_start3A_182] : memref<2x128x304xf32, #tpu.memory_space<vmem>> -> memref<1x128x304xf32, #tpu.memory_space<vmem>>
        %dma_start3A_184 = tpu.memref_squeeze %dma_start3A_183 : memref<1x128x304xf32, #tpu.memory_space<vmem>> -> memref<128x304xf32, #tpu.memory_space<vmem>>
        %dma_start3A_185 = arith.constant 0 : i32
        %dma_start3A_186 = tpu.memref_slice %arg5[%add3A_154, %dma_start3A_185] : memref<50x128xi32, #tpu.memory_space<vmem>> -> memref<1x128xi32, #tpu.memory_space<vmem>>
        %dma_start3A_187 = tpu.memref_squeeze %dma_start3A_186 : memref<1x128xi32, #tpu.memory_space<vmem>> -> memref<128xi32, #tpu.memory_space<vmem>>
        %dma_start3A_188 = arith.constant 0 : i32
        %dma_start3A_189 = arith.constant 0 : i32
        %dma_start3A_190 = tpu.memref_slice %arg3[%dma_start3A_188, %dma_start3A_189] : memref<100000x304xf32, #tpu.memory_space<hbm>> -> memref<100000x304xf32, #tpu.memory_space<hbm>>
        %dma_start3A_191 = tpu.memref_slice %arg7[%dma_start3A_180] : memref<2x!tpu.dma_semaphore, #tpu.memory_space<semaphore_mem>> -> memref<1x!tpu.dma_semaphore, #tpu.memory_space<semaphore_mem>>
        %dma_start3A_192 = tpu.memref_squeeze %dma_start3A_191 : memref<1x!tpu.dma_semaphore, #tpu.memory_space<semaphore_mem>> -> memref<!tpu.dma_semaphore, #tpu.memory_space<semaphore_mem>>
        tpu.enqueue_indirect_dma source(%dma_start3A_190 : memref<100000x304xf32, #tpu.memory_space<hbm>>) target(%dma_start3A_184 : memref<128x304xf32, #tpu.memory_space<vmem>>) offsets(%dma_start3A_187 : memref<128xi32, #tpu.memory_space<vmem>>) semaphore(%dma_start3A_192 : memref<!tpu.dma_semaphore, #tpu.memory_space<semaphore_mem>>)
      } else {
      }
    }
    %scan3A_38 = arith.constant 25 : i32
    %add3A_39 = arith.constant 0 : i32
    %add3A_40 = arith.addi %mul3A_4, %add3A_39 : i32
    %dma_wait3A = arith.constant 0 : i32
    %dma_wait3A_41 = arith.constant 0 : i32
    %dma_wait3A_42 = arith.constant 0 : i32
    %dma_wait3A_43 = arith.constant 0 : i32
    %dma_wait3A_44 = tpu.memref_slice %arg6[%dma_wait3A, %dma_wait3A_42, %dma_wait3A_43] : memref<2x128x304xf32, #tpu.memory_space<vmem>> -> memref<1x128x304xf32, #tpu.memory_space<vmem>>
    %dma_wait3A_45 = tpu.memref_squeeze %dma_wait3A_44 : memref<1x128x304xf32, #tpu.memory_space<vmem>> -> memref<128x304xf32, #tpu.memory_space<vmem>>
    %dma_wait3A_46 = arith.constant 0 : i32
    %dma_wait3A_47 = tpu.memref_slice %arg4[%add3A_40, %dma_wait3A_46] : memref<204800x304xf32, #tpu.memory_space<hbm>> -> memref<128x304xf32, #tpu.memory_space<hbm>>
    %dma_wait3A_48 = tpu.memref_slice %arg8[%dma_wait3A_41] : memref<2x!tpu.dma_semaphore, #tpu.memory_space<semaphore_mem>> -> memref<1x!tpu.dma_semaphore, #tpu.memory_space<semaphore_mem>>
    %dma_wait3A_49 = tpu.memref_squeeze %dma_wait3A_48 : memref<1x!tpu.dma_semaphore, #tpu.memory_space<semaphore_mem>> -> memref<!tpu.dma_semaphore, #tpu.memory_space<semaphore_mem>>
    %dma_wait3A_50 = arith.constant 0 : i32
    %dma_wait3A_51 = tpu.memref_slice %arg4[%add3A_40, %dma_wait3A_50] : memref<204800x304xf32, #tpu.memory_space<hbm>> -> memref<128x304xf32, #tpu.memory_space<hbm>>
    %dma_wait3A_52 = arith.constant 0 : i32
    %dma_wait3A_53 = arith.constant 0 : i32
    %dma_wait3A_54 = tpu.memref_slice %arg6[%dma_wait3A, %dma_wait3A_52, %dma_wait3A_53] : memref<2x128x304xf32, #tpu.memory_space<vmem>> -> memref<1x128x304xf32, #tpu.memory_space<vmem>>
    %dma_wait3A_55 = tpu.memref_squeeze %dma_wait3A_54 : memref<1x128x304xf32, #tpu.memory_space<vmem>> -> memref<128x304xf32, #tpu.memory_space<vmem>>
    tpu.wait_dma2 semaphore(%dma_wait3A_49 : memref<!tpu.dma_semaphore, #tpu.memory_space<semaphore_mem>>) src(%dma_wait3A_55 : memref<128x304xf32, #tpu.memory_space<vmem>>) dst(%dma_wait3A_51 : memref<128x304xf32, #tpu.memory_space<hbm>>)
    %add3A_56 = arith.constant 0 : i32
    %add3A_57 = arith.addi %mul3A_4, %add3A_56 : i32
    %dma_wait3A_58 = arith.constant 1 : i32
    %dma_wait3A_59 = arith.constant 1 : i32
    %dma_wait3A_60 = arith.constant 0 : i32
    %dma_wait3A_61 = arith.constant 0 : i32
    %dma_wait3A_62 = tpu.memref_slice %arg6[%dma_wait3A_58, %dma_wait3A_60, %dma_wait3A_61] : memref<2x128x304xf32, #tpu.memory_space<vmem>> -> memref<1x128x304xf32, #tpu.memory_space<vmem>>
    %dma_wait3A_63 = tpu.memref_squeeze %dma_wait3A_62 : memref<1x128x304xf32, #tpu.memory_space<vmem>> -> memref<128x304xf32, #tpu.memory_space<vmem>>
    %dma_wait3A_64 = arith.constant 0 : i32
    %dma_wait3A_65 = tpu.memref_slice %arg4[%add3A_57, %dma_wait3A_64] : memref<204800x304xf32, #tpu.memory_space<hbm>> -> memref<128x304xf32, #tpu.memory_space<hbm>>
    %dma_wait3A_66 = tpu.memref_slice %arg8[%dma_wait3A_59] : memref<2x!tpu.dma_semaphore, #tpu.memory_space<semaphore_mem>> -> memref<1x!tpu.dma_semaphore, #tpu.memory_space<semaphore_mem>>
    %dma_wait3A_67 = tpu.memref_squeeze %dma_wait3A_66 : memref<1x!tpu.dma_semaphore, #tpu.memory_space<semaphore_mem>> -> memref<!tpu.dma_semaphore, #tpu.memory_space<semaphore_mem>>
    %dma_wait3A_68 = arith.constant 0 : i32
    %dma_wait3A_69 = tpu.memref_slice %arg4[%add3A_57, %dma_wait3A_68] : memref<204800x304xf32, #tpu.memory_space<hbm>> -> memref<128x304xf32, #tpu.memory_space<hbm>>
    %dma_wait3A_70 = arith.constant 0 : i32
    %dma_wait3A_71 = arith.constant 0 : i32
    %dma_wait3A_72 = tpu.memref_slice %arg6[%dma_wait3A_58, %dma_wait3A_70, %dma_wait3A_71] : memref<2x128x304xf32, #tpu.memory_space<vmem>> -> memref<1x128x304xf32, #tpu.memory_space<vmem>>
    %dma_wait3A_73 = tpu.memref_squeeze %dma_wait3A_72 : memref<1x128x304xf32, #tpu.memory_space<vmem>> -> memref<128x304xf32, #tpu.memory_space<vmem>>
    tpu.wait_dma2 semaphore(%dma_wait3A_67 : memref<!tpu.dma_semaphore, #tpu.memory_space<semaphore_mem>>) src(%dma_wait3A_73 : memref<128x304xf32, #tpu.memory_space<vmem>>) dst(%dma_wait3A_69 : memref<128x304xf32, #tpu.memory_space<hbm>>)
    return
  }
}

</mosaic_0001>

<sc_bundles>
// kernel: _gather_rows.3.cloned.1.call-start
scs
__scs_entry_jumppad:
0x0: {  	(pc) =	sbr.rel $0x88, $3  }
0x1: {  	(tag) =	ssettag $0x0;
	lr =	simm.s32 $0x1  }
0x2: {  	[smem:$0x3F9F] =	sst lr;
	_ =	strace $0xD0000000  }
0x3: {  	_ = 	snop  }
0x4: {  	_ = 	snop  }
0x5: {  	_ = 	snop  }
0x6: {  	_ = 	snop  }
0x7: {  	_ = 	snop  }
__scs_overlays_trampoline_lowered:
0x8: {  	[smem:$0x3FAE] =	sst s0  }
0x9: {  	[smem:$0x3FAF] =	sst s1  }
0xa: {  	[smem:$0x3FB0] =	sst s2  }
0xb: {  	[smem:$0x3FB1] =	sst s3  }
0xc: {  	[smem:$0x3FB2] =	sst s4  }
0xd: {  	[smem:$0x3FB3] =	sst s5  }
0xe: {  	[smem:$0x3FB4] =	sst s6  }
0xf: {  	[smem:$0x3FB5] =	sst s7  }
0x10: {  	[smem:$0x3FB6] =	sst s8  }
0x11: {  	[smem:$0x3FB7] =	sst s9;
	s0 =	simm.s32 @!p0 $0x0  }
0x12: {  	s1 =	sld [smem:$0x3F9D];
	s0 =	simm.s32 @p0 $0x1  }
0x13: {  	[smem:$0x3FB8] =	sst s0;
	s0 =	simm.s32 @!p1 $0x0  }
0x14: {  	s2 =	sld [smem:$0x3F9C];
	s0 =	simm.s32 @p1 $0x1  }
0x15: {  	[smem:$0x3FB9] =	sst s0;
	s0 =	simm.s32 @!p2 $0x0  }
0x16: {  	s3 =	sld [smem:$0x3FDB];
	s0 =	simm.s32 @p2 $0x1  }
0x17: {  	s4 =	simm.s32 $0x1BF5;
	[smem:$0x3FBB] =	sst s0  }
0x18: {  	s0 =	sld [smem:$0x3F9E];
	_ =	swait.ge [sflag:s4], $0x0  }
0x19: {  	s7 =	sld [smem:$0x3F9F]  }
0x1a: {  	s8 =	sadd.s32 $0xFFFFE003, lr  }
0x1b: {  	s9 =	sadd.s32 $0xFFFFFEF7, lr;
	s5 =	simm.s32 $0xFFFFFFFF;
	p2 =	slt.u32 s8, $0xFFFFF086  }
0x1c: {  	p1 =	slt.u32 s9, $0xF7A;
	s5 =	simm.s32 @!p2 $0x0  }
0x1d: {  	s5 =	simm.s32 @p1 $0x1;
	p0 =	seq.s32 s7, s2  }
0x1e: {  	s7 =	smul.u32 @!p0 $0xF7A, s2;
	p2 =	seq.s32 @!p0 s5, $0x0  }
0x1f: {  	s9 =	smul.u32 $0xF7A, s1;
	s8 =	simm.s32 @!p0 $0x1BF5;
	p2 =	por !p2, p0  }
0x20: {  	[sflag:s8] =	ssyncset.s32 @!p0 $0xFFFFF086;
	s6 =	sadd.s32 @!p0 s3, s7;
	s7 =	simm.s32 @!p0 $0x108  }
0x21: {  	s3 =	sadd.s32 s3, s9;
	s6 =	sadd.s32 @!p0 $0x88, s6;
	s7 =	simm.s32 @p2 $0x1082  }
0x22: {  	[simem:s7], [sflag:s8] =	dma.local @!p0 [hbm:s6], $0xF7A  }
0x23: {  	s9 =	sor.u32 $0xD0000000, s2;
	s6 =	simm.s32 $0x108;
	_ =	swait.ge @!p0 [sflag:s8], $0x0  }
0x24: {  	s3 =	sadd.s32 $0x88, s3;
	s6 =	simm.s32 @!p1 $0x1082;
	[sflag:s4] =	ssyncset.s32 $0xFFFFF086  }
0x25: {  	[simem:s6], [sflag:s4] =	dma.local [hbm:s3], $0xF7A  }
0x26: {  	[smem:$0x3F9F] =	sst s1;
	(tag) =	ssettag s2;
	_ =	strace s9  }
0x27: {  	s1 =	sld [smem:$0x3FAF]  }
0x28: {  	s2 =	sld [smem:$0x3FB0]  }
0x29: {  	s4 =	sld [smem:$0x3FB2]  }
0x2a: {  	p0 =	seq.s32 s5, $0x0;
	s5 =	sld [smem:$0x3FB3]  }
0x2b: {  	s6 =	sld [smem:$0x3FB4]  }
0x2c: {  	s7 =	sld [smem:$0x3FB5]  }
0x2d: {  	s3 =	simm.s32 $0x108;
	s8 =	sld [smem:$0x3FB6]  }
0x2e: {  	s3 =	simm.s32 @!p0 $0x1082;
	s9 =	sld [smem:$0x3FB7]  }
0x2f: {  	lr =	sadd.s32 s0, s3;
	s0 =	sld [smem:$0x3FAE]  }
0x30: {  	s3 =	sld [smem:$0x3FB1]  }
0x31: {  	[smem:$0x3FBA] =	sst s10  }
0x32: {  	s10 =	sld [smem:$0x3FB8];
	_ =	sdelay $0x3  }
0x33: {  	p0 =	seq.s32 s10, $0x1;
	s10 =	sld [smem:$0x3FBA];
	_ =	sdelay $0x3  }
0x34: {  	[smem:$0x3FBA] =	sst s10  }
0x35: {  	s10 =	sld [smem:$0x3FB9];
	_ =	sdelay $0x3  }
0x36: {  	p1 =	seq.s32 s10, $0x1;
	s10 =	sld [smem:$0x3FBA];
	_ =	sdelay $0x3  }
0x37: {  	[smem:$0x3FBA] =	sst s10  }
0x38: {  	s10 =	sld [smem:$0x3FBB]  }
0x39: {  	_ = 	snop;
	(pc) =	sbr.ind lr, $3  }
0x3a: {  	_ = 	snop  }
0x3b: {  	_ = 	snop  }
0x3c: {  	p2 =	seq.s32 s10, $0x1;
	s10 =	sld [smem:$0x3FBA]  }
0x3d: {  	_ =	shalt  }
0x3e: {  	_ =	shalt  }
0x3f: {  	_ =	shalt  }
0x40: {  	_ =	shalt  }
0x41: {  	_ =	shalt  }
0x42: {  	_ =	shalt  }
0x43: {  	_ =	shalt  }
0x44: {  	_ =	shalt  }
0x45: {  	_ =	shalt  }
0x46: {  	_ =	shalt  }
0x47: {  	_ =	shalt  }
0x48: {  	_ =	shalt  }
0x49: {  	_ =	shalt  }
0x4a: {  	_ =	shalt  }
0x4b: {  	_ =	shalt  }
0x4c: {  	_ =	shalt  }
0x4d: {  	_ =	shalt  }
0x4e: {  	_ =	shalt  }
0x4f: {  	_ =	shalt  }
0x50: {  	_ =	shalt  }
0x51: {  	_ =	shalt  }
0x52: {  	_ =	shalt  }
0x53: {  	_ =	shalt  }
0x54: {  	_ =	shalt  }
0x55: {  	_ =	shalt  }
0x56: {  	_ =	shalt  }
0x57: {  	_ =	shalt  }
0x58: {  	_ =	shalt  }
0x59: {  	_ =	shalt  }
0x5a: {  	_ =	shalt  }
0x5b: {  	_ =	shalt  }
0x5c: {  	_ =	shalt  }
0x5d: {  	_ =	shalt  }
0x5e: {  	_ =	shalt  }
0x5f: {  	_ =	shalt  }
0x60: {  	_ =	shalt  }
0x61: {  	_ =	shalt  }
0x62: {  	_ =	shalt  }
0x63: {  	_ =	shalt  }
0x64: {  	_ =	shalt  }
0x65: {  	_ =	shalt  }
0x66: {  	_ =	shalt  }
0x67: {  	_ =	shalt  }
0x68: {  	_ =	shalt  }
0x69: {  	_ =	shalt  }
0x6a: {  	_ =	shalt  }
0x6b: {  	_ =	shalt  }
0x6c: {  	_ =	shalt  }
0x6d: {  	_ =	shalt  }
0x6e: {  	_ =	shalt  }
0x6f: {  	_ =	shalt  }
0x70: {  	_ =	shalt  }
0x71: {  	_ =	shalt  }
0x72: {  	_ =	shalt  }
0x73: {  	_ =	shalt  }
0x74: {  	_ =	shalt  }
0x75: {  	_ =	shalt  }
0x76: {  	_ =	shalt  }
0x77: {  	_ =	shalt  }
0x78: {  	_ =	shalt  }
0x79: {  	_ =	shalt  }
0x7a: {  	_ =	shalt  }
0x7b: {  	_ =	shalt  }
0x7c: {  	_ =	shalt  }
0x7d: {  	_ =	shalt  }
0x7e: {  	_ =	shalt  }
0x7f: {  	_ =	shalt  }
0x80: {  	_ =	shalt  }
0x81: {  	_ =	shalt  }
0x82: {  	_ =	shalt  }
0x83: {  	_ =	shalt  }
0x84: {  	_ =	shalt  }
0x85: {  	_ =	shalt  }
0x86: {  	_ =	shalt  }
0x87: {  	_ =	shalt  }
.Lfunc_end0:
.L_simem_size_0:
called_computation.1_lowered:
.L_overlay_start_0:
0x88: {  	s2 =	sld [smem:$0x3FD9]  }
0x89: {  	s3 =	sld [smem:$0x3FFE];
	_ =	sdelay $0x1  }
0x8a: {  	s1 =	srdreg.scid  }
0x8b: {  	s0 =	sand.u32 $0x1, s1  }
0x8c: {  	s17 =	sshll.u32 s0, $0xA;
	s2 =	sadd.s32 s3, s2  }
0x8d: {  	s2 =	sadd.s32 s2, s17  }
0x8e: {  	[smem:$0x3FC6] =	sst s2  }
0x8f: {  	_ = 	snop  }
0x90: {  	s2 =	sld [smem:$0x3FD0];
	(tm) =	ssettm $0x1  }
0x91: {  	s18 =	sld [smem:$0x3FFB];
	_ =	sdelay $0x3  }
0x92: {  	_ =	strace s18  }
0x93: {  	s3 =	sld [smem:$0x3FFC];
	_ =	sdelay $0x3  }
0x94: {  	_ =	strace s3  }
0x95: {  	s3 =	sld [smem:$0x3FFD];
	_ =	sdelay $0x3  }
0x96: {  	_ =	strace s3  }
0x97: {  	_ =	strace $0x8FFFFFFF  }
0x98: {  	s19 =	sld [smem:$0x3FDB];
	_ =	sdelay $0x1  }
0x99: {  	s4 =	simm.s32 $_scs_section_size  }
0x9a: {  	s5 =	simm.s32 $_size__tile_overlayer_lowered;
	s6 =	simm.s32 $_tile_overlayer_lowered  }
0x9b: {  	s22 =	simm.s32 $0x1BFF;
	s21 =	sshll.u32 s6, $0x1;
	s3 =	sadd.s32 s4, s19  }
0x9c: {  	s7 =	simm.s32 $0x0;
	s20 =	sshll.u32 s5, $0x1;
	s5 =	sadd.s32 s21, s3  }
0x9d: {  	[timem:s7], [sflag:s22] =	dma.local [hbm:s5], s20  }
0x9e: {  	_ =	swait.ge [sflag:s22], s20  }
0x9f: {  	s4 =	ssub.s32 $0x0, s20;
	[sflag:s22] =	ssyncset.done $0x0  }
0xa0: {  	[sflag:s22] =	ssyncadd.s32 s4;
	_ =	sdelay $0x1  }
0xa1: {  	s23 =	simm.s32 $0x1B8B  }
0xa2: {  	_ =	swait.ge [sflag:s23], $0x1  }
0xa3: {  	[sflag:s23] =	ssyncset.done $0x0  }
0xa4: {  	s25 =	simm.s32 $0x1B8E;
	s24 =	sld [smem:$0x3FFE];
	[sflag:s23] =	ssyncadd.s32 $0xFFFFFFFF  }
0xa5: {  	s26 =	simm.s32 $execute0_lowered;
	[smem:$0x3FD2] =	sst s25  }
0xa6: {  	s5 =	sshll.u32 s26, $0x1;
	_ =	strace $0x80000046;
	[dreg:$0x1] =	wrdreg $0xFFFFFFFF  }
0xa7: {  	s28 =	simm.s32 $_size_execute0_lowered;
	s3 =	sadd.s32 s3, s5;
	[dreg:$0x0] =	wrdreg $0x0  }
0xa8: {  	s5 =	sshll.u32 s28, $0x1;
	[dreg:$0x2] =	wrdreg s3  }
0xa9: {  	[dreg:$0x3] =	wrdreg s5  }
0xaa: {  	[dreg:$0x4] =	wrdreg $0xC0  }
0xab: {  	_ =	task [dreg:s7], $0x5FFFF  }
0xac: {  	[dreg:$0x1] =	wrdreg $0xFFFFFFFF  }
0xad: {  	[dreg:$0x0] =	wrdreg $0x60  }
0xae: {  	[dreg:$0x2] =	wrdreg s24  }
0xaf: {  	[dreg:$0x3] =	wrdreg s2  }
0xb0: {  	[dreg:$0x4] =	wrdreg $0x9  }
0xb1: {  	_ =	task.clear_ibuf [dreg:s7], $0x5FFFF;
	_ =	strace $0x90000046  }
0xb2: {  	s29 =	simm.s32 $0x9;
	_ =	strace $0x80000048  }
0xb3: {  	_ =	swait.ge [sflag:s29], $0x1  }
0xb4: {  	[sflag:s29] =	ssyncadd.s32 $0xFFFFFFFF  }
0xb5: {  	_ =	strace $0x90000048  }
0xb6: {  	_ =	sfence  }
0xb7: {  	s30 =	sld [smem:$0x0];
	_ =	sdelay $0x2  }
0xb8: {  	s31 =	sshll.u32 s1, $0xD;
	s1 =	sshrl.u32 s1, $0x2  }
0xb9: {  	s3 =	sand.u32 $0x4000, s31;
	s1 =	sadd.s32 s1, s30  }
0xba: {  	s0 =	sor.u32 s3, s0;
	s1 =	sshll.u32 s1, $0x11  }
0xbb: {  	s0 =	sor.u32 s1, s0  }
0xbc: {  	s0 =	sadd.s32 $0x8F2B, s0  }
0xbd: {  	[sflag:s0] =	ssyncadd.remote.s32 $0x1  }
0xbe: {  	_ =	sfence.sel $0xFFFF  }
0xbf: {  	[dreg:$0x0] =	wrdreg $0xFFFFFFFF;
	(pc) =	sbr.abs _section_cstart, $3  }
0xc0: {  	[dreg:$0x1] =	wrdreg $0xFFFFFFFF  }
0xc1: {  	_ =	task.clear_ibuf [dreg:s7], $0x2FFFF;
	_ =	strace $0x9FFFFFFF  }
0xc2: {  	(tm) =	ssettm $0x7FFFFFFF  }
0xc3: {  	_ =	shalt  }
tec
execute0_lowered:
.L_overlay_start_1:
0x0: {  	(tag) =	ssettag $0x1  }
0x1: {  	s1 =	srdreg.scid;
	s3 =	rddreg [dreg:$0x0]  }
0x2: {  	s0 =	stileid.u32;
	s6 =	rddreg [dreg:$0x1]  }
0x3: {  	s2 =	simm.s32 $0x0;
	s12 =	simm.s32 $0xB100;
	s13 =	simm.s32 $0x1  }
0x4: {  	s14 =	simm.s32 $0x3;
	s15 =	simm.s32 $0x2;
	s16 =	simm.s32 $0x4  }
0x5: {  	s17 =	simm.s32 $0x0;
	s5 =	sand.u32 $0x1, s1;
	s1 =	rddreg [dreg:$0x2]  }
0x6: {  	s28 =	sshll.u32 s0, $0x1;
	[smem:$0x7FF] =	sst s2;
	s10 =	smul.u32 $0x76C00, s0  }
0x7: {  	s4 =	sor.u32 s5, s28;
	s8 =	ssub.s32 $0x2, s5;
	s11 =	smul.u32 $0x3B600, s5  }
0x8: {  	_ =	strace $0x80000047;
	s7 =	smul.u32 $0x1900, s4;
	s29 =	sshrl.u32 s8, $0x1  }
0x9: {  	s9 =	smul.u32 $0x3B600, s4;
	s31 =	sadd.s32 s10, s6;
	s8 =	ssub.s32 s8, s29  }
0xa: {  	s10 =	simm.s32 $0x80;
	s7 =	sshrl.u32 s7, $0x3;
	s5 =	smax.u32 s8, $0x1  }
0xb: {  	s30 =	sadd.s32 s6, s9;
	s8 =	sadd.s32 s11, s31;
	s9 =	simm.s32 $0x5  }
0xc: {  	s11 =	simm.s32 $0x1900;
	s7 =	sadd.s32 s7, s3;
	s3 =	sadd.s32 $0x6C00, s3  }
0xd: {  	s6 =	sadd.s32 $0x39000, s30;
	s4 =	sadd.s32 $0x800, s7;
	s7 =	sadd.s32 $0x3A300, s30  }
.LBB2_1:
0xe: {  	[tilespmem:s2], [sflag:$0x5] =	stream.linear.gather [hbm4b:s4+s2], $0x1900, $0x38;
	[tilespmem:$0x14900] =	vst v63  }
0xf: {  	_ =	swait.ge [sflag:s9], $0x1900  }
0x10: {  	[sflag:s9] =	ssyncset.done $0x0  }
0x11: {  	[sflag:s9] =	ssyncadd.s32 $0xFFFFE700  }
0x12: {  	[tilespmem:s11], [sflag:$0x1] =	stream.indirect.gather [hbm4b:s3+s10], $0x130, s2, s10, $0xb8;
	[tilespmem:$0x14900] =	vst v63  }
0x13: {  	_ = 	snop  }
0x14: {  	[tilespmem:s12], [sflag:$0x2] =	stream.indirect.gather [hbm4b:s3+s10], $0x130, s10, s10, $0xb8;
	[tilespmem:$0x14900] =	vst v63  }
0x15: {  	_ =	swait.ge [sflag:s13], $0x9800  }
0x16: {  	[sflag:s13] =	ssyncset.done $0x0  }
0x17: {  	s18 =	sadd.s32 $0x0, s8;
	[sflag:s13] =	ssyncadd.s32 $0xFFFF6800  }
0x18: {  	[hbm4b:s18+s2] =	stream.linear.scatter [tilespmem:s11], [sflag:$0x3], $0x9800, $0x38;
	[tilespmem:$0x14900] =	vst v63  }
0x19: {  	_ =	swait.ge [sflag:s14], $0x9800  }
0x1a: {  	[sflag:s14] =	ssyncset.done $0x0  }
0x1b: {  	s19 =	simm.s32 $0x100;
	[sflag:s14] =	ssyncadd.s32 $0xFFFF6800  }
0x1c: {  	[tilespmem:s11], [sflag:$0x1] =	stream.indirect.gather [hbm4b:s3+s10], $0x130, s19, s10, $0xb8;
	[tilespmem:$0x14900] =	vst v63  }
0x1d: {  	_ =	swait.ge [sflag:s15], $0x9800  }
0x1e: {  	[sflag:s15] =	ssyncset.done $0x0  }
0x1f: {  	s18 =	sadd.s32 $0x1300, s18;
	[sflag:s15] =	ssyncadd.s32 $0xFFFF6800  }
0x20: {  	[hbm4b:s18+s2] =	stream.linear.scatter [tilespmem:s12], [sflag:$0x4], $0x9800, $0x38;
	[tilespmem:$0x14900] =	vst v63  }
0x21: {  	_ =	swait.ge [sflag:s16], $0x9800  }
0x22: {  	s20 =	simm.s32 $0x280;
	[sflag:s16] =	ssyncset.done $0x0  }
0x23: {  	s19 =	simm.s32 $0x2600;
	s18 =	simm.s32 $0x180;
	[sflag:s16] =	ssyncadd.s32 $0xFFFF6800  }
.LBB2_2:
0x24: {  	[tilespmem:s12], [sflag:$0x2] =	stream.indirect.gather [hbm4b:s3+s10], $0x130, s18, s10, $0xb8;
	[tilespmem:$0x14900] =	vst v63  }
0x25: {  	s21 =	smov.u32 s19;
	s18 =	smov.u32 s20  }
0x26: {  	p0 =	sne.s32 s19, $0x36A00;
	s19 =	sadd.s32 $0x2600, s19;
	_ =	swait.ge [sflag:s13], $0x9800  }
0x27: {  	[sflag:s13] =	ssyncset.done $0x0  }
0x28: {  	s21 =	sadd.s32 s21, s8;
	[sflag:s13] =	ssyncadd.s32 $0xFFFF6800  }
0x29: {  	[hbm4b:s21+s2] =	stream.linear.scatter [tilespmem:s11], [sflag:$0x3], $0x9800, $0x38;
	[tilespmem:$0x14900] =	vst v63  }
0x2a: {  	_ =	swait.ge [sflag:s14], $0x9800  }
0x2b: {  	[sflag:s14] =	ssyncset.done $0x0  }
0x2c: {  	s22 =	sadd.s32 $0xFFFFFF80, s20;
	[sflag:s14] =	ssyncadd.s32 $0xFFFF6800  }
0x2d: {  	[tilespmem:s11], [sflag:$0x1] =	stream.indirect.gather [hbm4b:s3+s10], $0x130, s22, s10, $0xb8;
	[tilespmem:$0x14900] =	vst v63  }
0x2e: {  	_ =	swait.ge [sflag:s15], $0x9800  }
0x2f: {  	[sflag:s15] =	ssyncset.done $0x0  }
.Ltmp0:
0x30: {  	s21 =	sadd.s32 $0x1300, s21;
	[sflag:s15] =	ssyncadd.s32 $0xFFFF6800;
	(pc) =	sbr.rel @p0 .LBB2_2-.Ltmp0, $4  }
0x31: {  	[hbm4b:s21+s2] =	stream.linear.scatter [tilespmem:s12], [sflag:$0x4], $0x9800, $0x38;
	[tilespmem:$0x14900] =	vst v63  }
0x32: {  	_ =	swait.ge [sflag:s16], $0x9800  }
0x33: {  	[sflag:s16] =	ssyncset.done $0x0  }
0x34: {  	s20 =	sadd.s32 $0x100, s20;
	[sflag:s16] =	ssyncadd.s32 $0xFFFF6800  }
0x35: {  	[tilespmem:s12], [sflag:$0x2] =	stream.indirect.gather [hbm4b:s3+s10], $0x130, s18, s10, $0xb8;
	[tilespmem:$0x14900] =	vst v63  }
0x36: {  	_ =	swait.ge [sflag:s13], $0x9800  }
0x37: {  	[sflag:s13] =	ssyncset.done $0x0  }
0x38: {  	[sflag:s13] =	ssyncadd.s32 $0xFFFF6800  }
0x39: {  	[hbm4b:s6+s2] =	stream.linear.scatter [tilespmem:s11], [sflag:$0x3], $0x9800, $0x38;
	[tilespmem:$0x14900] =	vst v63  }
0x3a: {  	_ =	swait.ge [sflag:s15], $0x9800  }
0x3b: {  	[sflag:s15] =	ssyncset.done $0x0  }
0x3c: {  	s17 =	sadd.s32 $0x1, s17;
	[sflag:s15] =	ssyncadd.s32 $0xFFFF6800  }
0x3d: {  	[hbm4b:s7+s2] =	stream.linear.scatter [tilespmem:s12], [sflag:$0x4], $0x9800, $0x38;
	[tilespmem:$0x14900] =	vst v63  }
0x3e: {  	p0 =	sne.s32 s17, s5;
	_ =	swait.ge [sflag:s14], $0x9800  }
.Ltmp1:
0x3f: {  	[sflag:s14] =	ssyncset.done $0x0;
	(pc) =	sbr.rel @p0 .LBB2_1-.Ltmp1, $4  }
0x40: {  	[sflag:s14] =	ssyncadd.s32 $0xFFFF6800  }
0x41: {  	_ =	swait.ge [sflag:s16], $0x9800  }
0x42: {  	[sflag:s16] =	ssyncset.done $0x0  }
0x43: {  	[sflag:s16] =	ssyncadd.s32 $0xFFFF6800  }
0x44: {  	_ =	sfence.sel $0x180000  }
0x45: {  	[bflag:$0x0] =	sbarrier.arrive $0xFFFF  }
0x46: {  	p0 =	sne.s32 s0, $0x0;
	_ =	strace $0x90000047  }
0x47: {  	s0 =	sadd.s32 @!p0 $0x100000, s1;
	[bflag:$0x2] =	sbarrier.arrive $0xFFFF  }
0x48: {  	[sflag:s0] =	ssyncadd.tile.s32 @!p0 $0x1;
	_ =	shalt  }
.Lfunc_end2:
_tile_overlayer_lowered:
.L_overlay_start_2:
0x49: {  	(tag) =	ssettag $0x2  }
0x4a: {  	s0 =	rddreg [dreg:$0x0];
	s2 =	stileid.u32  }
0x4b: {  	s1 =	rddreg [dreg:$0x1];
	p0 =	sne.s32 s2, $0x0  }
0x4c: {  	s3 =	rddreg [dreg:$0x2];
	[bflag:$0x3] =	sbarrier.arrive $0xFFFF;
	s2 =	simm.s32 @!p0 $0x1C05  }
0x4d: {  	[timem:s3], [sflag:s2] =	dma.local @!p0 [hbm:s0], s1  }
0x4e: {  	s0 =	simm.s32 @!p0 $0x5  }
0x4f: {  	_ =	swait.ge @!p0 [sflag:s0], s1  }
0x50: {  	s1 =	ssub.s32 @!p0 $0x0, s1;
	[sflag:s0] =	ssyncset.done @!p0 $0x0  }
0x51: {  	[sflag:s0] =	ssyncadd.s32 @!p0 s1  }
0x52: {  	[bflag:$0x3] =	sbarrier.arrive $0xFFFF  }
0x53: {  	_ =	shalt  }

// kernel: sparse-core-data-format-call.cloned.1.call-start
scs
called_computation_lowered:
.L_overlay_start_0:
0x0: {  	s2 =	sld [smem:$0x3FD9]  }
0x1: {  	s3 =	sld [smem:$0x3FFE];
	_ =	sdelay $0x1  }
0x2: {  	s1 =	srdreg.scid  }
0x3: {  	s0 =	sand.u32 $0x1, s1  }
0x4: {  	s18 =	sshll.u32 s0, $0xA;
	s2 =	sadd.s32 s3, s2  }
0x5: {  	s2 =	sadd.s32 s2, s18  }
0x6: {  	[smem:$0x3FC6] =	sst s2  }
0x7: {  	_ = 	snop  }
0x8: {  	s2 =	sld [smem:$0x3FD0];
	(tm) =	ssettm $0x1  }
0x9: {  	s19 =	sld [smem:$0x3FFB];
	_ =	sdelay $0x3  }
0xa: {  	_ =	strace s19  }
0xb: {  	s3 =	sld [smem:$0x3FFC];
	_ =	sdelay $0x3  }
0xc: {  	_ =	strace s3  }
0xd: {  	s3 =	sld [smem:$0x3FFD];
	_ =	sdelay $0x3  }
0xe: {  	_ =	strace s3  }
0xf: {  	_ =	strace $0x8FFFFFFF  }
0x10: {  	s20 =	sld [smem:$0x3FDB];
	_ =	sdelay $0x1  }
0x11: {  	s4 =	simm.s32 $_scs_section_size  }
0x12: {  	s5 =	simm.s32 $_size__tile_overlayer_lowered;
	s6 =	simm.s32 $_tile_overlayer_lowered  }
0x13: {  	s23 =	simm.s32 $0x1BFF;
	s22 =	sshll.u32 s6, $0x1;
	s3 =	sadd.s32 s4, s20  }
0x14: {  	s7 =	simm.s32 $0x0;
	s21 =	sshll.u32 s5, $0x1;
	s5 =	sadd.s32 s22, s3  }
0x15: {  	[timem:s7], [sflag:s23] =	dma.local [hbm:s5], s21  }
0x16: {  	_ =	swait.ge [sflag:s23], s21  }
0x17: {  	s4 =	ssub.s32 $0x0, s21;
	[sflag:s23] =	ssyncset.done $0x0  }
0x18: {  	[sflag:s23] =	ssyncadd.s32 s4;
	_ =	sdelay $0x1  }
0x19: {  	s24 =	simm.s32 $0x1B8B  }
0x1a: {  	_ =	swait.ge [sflag:s24], $0x1  }
0x1b: {  	[sflag:s24] =	ssyncset.done $0x0  }
0x1c: {  	s26 =	simm.s32 $0x1B8E;
	s25 =	sld [smem:$0x3FFE];
	[sflag:s24] =	ssyncadd.s32 $0xFFFFFFFF  }
0x1d: {  	s27 =	simm.s32 $execute0_lowered;
	[smem:$0x3FD2] =	sst s26  }
0x1e: {  	s5 =	sshll.u32 s27, $0x1;
	_ =	strace $0x80000049;
	[dreg:$0x1] =	wrdreg $0xFFFFFFFF  }
0x1f: {  	s28 =	simm.s32 $_size_execute0_lowered;
	s3 =	sadd.s32 s3, s5;
	[dreg:$0x0] =	wrdreg $0x0  }
0x20: {  	s5 =	sshll.u32 s28, $0x1;
	[dreg:$0x2] =	wrdreg s3  }
0x21: {  	[dreg:$0x3] =	wrdreg s5  }
0x22: {  	[dreg:$0x4] =	wrdreg $0xC0  }
0x23: {  	_ =	task [dreg:s7], $0x5FFFF  }
0x24: {  	[dreg:$0x1] =	wrdreg $0xFFFFFFFF  }
0x25: {  	[dreg:$0x0] =	wrdreg $0x60  }
0x26: {  	[dreg:$0x2] =	wrdreg s25  }
0x27: {  	[dreg:$0x3] =	wrdreg s2  }
0x28: {  	[dreg:$0x4] =	wrdreg $0x9  }
0x29: {  	_ =	task.clear_ibuf [dreg:s7], $0x5FFFF;
	_ =	strace $0x90000049  }
0x2a: {  	s29 =	simm.s32 $0x9;
	_ =	strace $0x8000004B  }
0x2b: {  	_ =	swait.ge [sflag:s29], $0x1  }
0x2c: {  	[sflag:s29] =	ssyncadd.s32 $0xFFFFFFFF  }
0x2d: {  	_ =	strace $0x9000004B  }
0x2e: {  	_ =	sfence  }
0x2f: {  	s30 =	sld [smem:$0x0];
	_ =	sdelay $0x2  }
0x30: {  	s31 =	sshll.u32 s1, $0xD;
	s1 =	sshrl.u32 s1, $0x2  }
0x31: {  	s3 =	sand.u32 $0x4000, s31;
	s1 =	sadd.s32 s1, s30  }
0x32: {  	s0 =	sor.u32 s3, s0;
	s1 =	sshll.u32 s1, $0x11  }
0x33: {  	s0 =	sor.u32 s1, s0  }
0x34: {  	s0 =	sadd.s32 $0x8F2B, s0  }
0x35: {  	[sflag:s0] =	ssyncadd.remote.s32 $0x1  }
0x36: {  	_ =	sfence.sel $0xFFFF  }
0x37: {  	[dreg:$0x0] =	wrdreg $0xFFFFFFFF;
	(pc) =	sbr.abs _section_cstart, $3  }
0x38: {  	[dreg:$0x1] =	wrdreg $0xFFFFFFFF  }
0x39: {  	_ =	task.clear_ibuf [dreg:s7], $0x2FFFF;
	_ =	strace $0x9FFFFFFF  }
0x3a: {  	(tm) =	ssettm $0x7FFFFFFF  }
0x3b: {  	_ =	shalt  }
tec
execute0_lowered:
.L_overlay_start_1:
0x0: {  	(tag) =	ssettag $0x1  }
0x1: {  	s0 =	srdreg.scid  }
0x2: {  	s1 =	sshll.u32 s0, $0x4  }
0x3: {  	s6 =	rddreg [dreg:$0x0];
	s0 =	stileid.u32;
	s1 =	sand.u32 $0x10, s1  }
0x4: {  	s3 =	rddreg [dreg:$0x1];
	s1 =	sor.u32 s0, s1  }
0x5: {  	s5 =	simm.s32 $0x1;
	s31 =	simm.s32 $0x2;
	s2 =	sshll.u32 s1, $0x7  }
0x6: {  	s15 =	simm.s32 $0x0;
	s8 =	simm.s32 $0x190000;
	s4 =	ssub.s32 $0x32000, s2  }
0x7: {  	s14 =	simm.s32 $0x0;
	s9 =	simm.s32 $0x0;
	s30 =	sand.u32 $0xF80, s4  }
0x8: {  	s10 =	simm.s32 $0x0;
	s11 =	simm.s32 $0x0;
	p0 =	sne.s32 s30, $0x0  }
.Ltmp0:
0x9: {  	s7 =	sshrl.u32 s4, $0xC;
	s5 =	simm.s32 @!p0 $0x0;
	(pc) =	sbr.rel .LBB1_1-.Ltmp0, $4  }
0xa: {  	s13 =	simm.s32 $0x0;
	s1 =	rddreg [dreg:$0x2];
	s5 =	sadd.s32 s5, s7  }
0xb: {  	_ =	strace $0x8000004A;
	s4 =	simm.s32 $0x1;
	s5 =	smul.u32 $0x3, s5  }
0xc: {  	s6 =	sadd.s32 $0x800, s6;
	s12 =	smov.u32 s2;
	[sflag:s4] =	ssyncpa.u1 $0x0  }
0xd: {  	[sflag:s31] =	ssyncpa.u1 $0x0;
	p0 =	por $0x0, $0x0;
	s7 =	sadd.s32 $0x1, s5  }
.LBB1_4:
0xe: {  	s21 =	sshrl.u32 s9, $0x3;
	s22 =	sshll.u32 s10, $0x3  }
0xf: {  	s20 =	sshra.s32 s20, $0x2;
	s23 =	sshll.u32 s9, $0x7;
	s24 =	sand.u32 $0x7F, s10  }
0x10: {  	p1 =	sgt.s32 s9, $0xB0;
	s28 =	sshra.s32 s9, $0x1F;
	s21 =	smul.u32 $0x190000, s21  }
0x11: {  	s29 =	sshra.s32 s10, $0x1F;
	s22 =	sand.u32 $0xFFFFFC00, s22;
	s25 =	sand.u32 $0x380, s23  }
0x12: {  	s19 =	sadd.s32 s20, s19;
	s26 =	sor.u32 s24, s25;
	s21 =	sadd.s32 s22, s21  }
0x13: {  	s27 =	smulhi.u32 $0x51EB851F, s21;
	s20 =	sor.u32 s21, s26;
	s21 =	smov.u32 s9  }
0x14: {  	v5 =	vld [tilespmem:s17+$0xFFFFFFD0];
	[tilespmem:s18+$0x2040 ss:$0x81] =	vst.msk $0xffff, v4;
	s23 =	sand.u32 s28, s9;
	s24 =	sand.u32 s29, s10;
	s21 =	simm.s32 @!p1 $0xB0  }
0x15: {  	v58 =	vld [tilespmem:s17+$0xFFFFFFE0];
	[tilespmem:s18+$0x2850 ss:$0x81] =	vst.msk $0xffff, v3;
	p1 =	sgt.s32 s10, $0x31F80;
	s30 =	smulhi.u32 $0x51EB851F, s20;
	s22 =	sshrl.u32 s27, $0x10  }
0x16: {  	v59 =	vld [tilespmem:s17+$0xFFFFFFF0];
	[tilespmem:s18+$0x3060 ss:$0x81] =	vst.msk $0xffff, v2;
	s21 =	ssub.s32 s21, s23;
	s23 =	smov.u32 s10;
	s25 =	smul.u32 $0xD795, s22  }
0x17: {  	v60 =	vld [tilespmem:s17+$0x0];
	[tilespmem:s18+$0x0 ss:$0x81] =	vst.msk $0xffff, v0;
	s23 =	simm.s32 @!p1 $0x31F80;
	s31 =	sadd.s32 $0xFFFFFF50, s21;
	s18 =	sshrl.u32 s30, $0x10  }
0x18: {  	v61 =	vld [tilespmem:s17+$0x10];
	[tilespmem:s19+$0x3870 ss:$0x81] =	vst.msk $0xffff, v1;
	s23 =	ssub.s32 s23, s24;
	s28 =	smul.u32 $0x32000, s18;
	s25 =	sshrl.u32 s25, $0x18  }
0x19: {  	v62 =	vld [tilespmem:s17+$0x20];
	[tilespmem:s19+$0x810 ss:$0x81] =	vst.msk $0xffff, v5;
	p1 =	sgt.s32 s31, $0x7F;
	s26 =	sadd.s32 $0xFFFCE080, s23;
	s27 =	smul.u32 $0x130, s25  }
0x1a: {  	v63 =	vld [tilespmem:s17+$0xFFFFFFC0];
	[tilespmem:s19+$0x1020 ss:$0x81] =	vst.msk $0xffff, v58;
	s18 =	ssub.s32 $0x130, s21;
	s21 =	ssub.s32 $0x32000, s23;
	p2 =	sgt.s32 s26, $0x7F  }
0x1b: {  	[tilespmem:s19+$0x1830 ss:$0x81] =	vst.msk $0xffff, v59;
	s18 =	simm.s32 @p1 $0x0;
	s21 =	simm.s32 @p2 $0x0;
	s22 =	ssub.s32 s22, s27  }
0x1c: {  	[tilespmem:s19+$0x2040 ss:$0x81] =	vst.msk $0xffff, v60;
	s17 =	ssub.s32 s20, s28;
	s18 =	smul.u32 s21, s18;
	s29 =	sand.u32 $0xFFFF, s22  }
0x1d: {  	[tilespmem:s19+$0x2850 ss:$0x81] =	vst.msk $0xffff, v61;
	s30 =	sshrl.u32 s17, $0x3;
	s17 =	sand.u32 $0x7, s17;
	s20 =	smul.u32 $0x6400, s29  }
0x1e: {  	[tilespmem:s19+$0x3060 ss:$0x81] =	vst.msk $0xffff, v62;
	s21 =	sadd.s32 s3, s30;
	s17 =	sshll.u32 s17, $0x12  }
0x1f: {  	[tilespmem:s19+$0x0 ss:$0x81] =	vst.msk $0xffff, v63;
	s17 =	sor.u32 $0x400, s17;
	s18 =	sand.u32 $0x3FFFFFFF, s18;
	s31 =	sadd.s32 s20, s21  }
0x20: {  	[hbm4b:s31+s17] =	stream.strided.scatter [tilespmem:s16], [sflag:$0x2], s18, s8, s17, $0x20;
	[tilespmem:$0x10100] =	vst v63  }
.LBB1_5:
0x21: {  	p1 =	slt.u32 s13, $0x2  }
0x22: {  	s17 =	smov.u32 s15;
	p2 =	sgt.s32 @!p1 s15, $0xB0;
	s16 =	sshra.s32 @!p1 s15, $0x1F  }
0x23: {  	p3 =	sgt.s32 @!p1 s14, $0x31F80;
	s18 =	sshra.s32 @!p1 s14, $0x1F;
	p2 =	por !p2, p1  }
0x24: {  	s15 =	sand.u32 @!p1 s16, s15;
	p3 =	por !p3, p1;
	s16 =	smov.u32 s14  }
0x25: {  	s14 =	sand.u32 @!p1 s18, s14;
	s17 =	simm.s32 @p2 $0xB0;
	s16 =	simm.s32 @p3 $0x31F80  }
0x26: {  	s15 =	ssub.s32 @!p1 s17, s15;
	s14 =	ssub.s32 @!p1 s16, s14  }
0x27: {  	s18 =	smov.u32 s12;
	s16 =	sadd.s32 @!p1 $0xFFFFFF50, s15;
	s17 =	sadd.s32 @!p1 $0xFFFCE080, s14  }
0x28: {  	s15 =	ssub.s32 @!p1 $0x130, s15;
	p2 =	sgt.s32 @!p1 s16, $0x7F;
	p3 =	sgt.s32 @!p1 s17, $0x7F  }
0x29: {  	s14 =	ssub.s32 @!p1 $0x32000, s14;
	p2 =	por !p2, p1;
	p3 =	por !p3, p1  }
0x2a: {  	s16 =	sadd.s32 $0x80, s11;
	s15 =	simm.s32 @!p2 $0x0;
	s14 =	simm.s32 @!p3 $0x0  }
0x2b: {  	p2 =	sgt.s32 s16, $0x12F;
	s14 =	smul.u32 @!p1 s14, s15;
	s15 =	sadd.s32 $0x1000, s12  }
0x2c: {  	s18 =	smov.u32 @p2 s15  }
0x2d: {  	s16 =	simm.s32 @p2 $0x0;
	p2 =	sgt.s32 s18, $0x31FFF  }
0x2e: {  	s18 =	smov.u32 @p2 s2;
	p2 =	sne.s32 s13, s7  }
.Ltmp1:
0x2f: {  	p0 =	por !p0, !p0;
	s17 =	simm.s32 @!p1 $0x2;
	(pc) =	sbr.rel @!p2 .LBB1_6-.Ltmp1, $4  }
0x30: {  	s15 =	smov.u32 s9;
	s9 =	smov.u32 s11;
	s14 =	sand.u32 @!p1 $0x3FFFFFFF, s14  }
0x31: {  	s11 =	smov.u32 s16;
	_ =	swait.ge @!p1 [sflag:s17], s14;
	s19 =	ssub.s32 @!p1 $0x0, s14  }
0x32: {  	s14 =	smov.u32 s10;
	s13 =	sadd.s32 $0x1, s13;
	[sflag:s17] =	ssyncset.done @!p1 $0x0  }
0x33: {  	s10 =	smov.u32 s12;
	s12 =	smov.u32 s18;
	[sflag:s17] =	ssyncadd.s32 @!p1 s19  }
.LBB1_1:
0x34: {  	p1 =	sge.u32 s13, s5  }
0x35: {  	s16 =	sshrl.u32 @!p1 s12, $0x3  }
0x36: {  	s17 =	sshll.u32 @!p1 s11, $0x3;
	s16 =	smul.u32 @!p1 $0xC00, s16  }
0x37: {  	s18 =	sshll.u32 @!p1 s12, $0x7;
	s17 =	sand.u32 @!p1 $0xFFFFFC00, s17  }
0x38: {  	s16 =	sadd.s32 @!p1 s16, s17;
	s17 =	sand.u32 @!p1 $0x380, s18  }
0x39: {  	s16 =	sor.u32 @!p1 s17, s16  }
0x3a: {  	s17 =	sand.u32 @!p1 $0x7F, s11;
	s18 =	smulhi.u32 @!p1 $0xAAAAAAAB, s16  }
0x3b: {  	s16 =	sor.u32 @!p1 s17, s16  }
0x3c: {  	s17 =	smulhi.u32 @!p1 $0xAAAAAAAB, s16;
	s18 =	sshrl.u32 @!p1 s18, $0x8  }
0x3d: {  	s19 =	smulhi.u32 @!p1 $0x147AE15, s18  }
0x3e: {  	s17 =	sshrl.u32 @!p1 s17, $0x8  }
0x3f: {  	s17 =	smul.u32 @!p1 $0x180, s17;
	s19 =	sshrl.u32 @!p1 s19, $0xA  }
0x40: {  	s19 =	smul.u32 @!p1 $0x32000, s19  }
0x41: {  	s31 =	sadd.s32 $0xFFFFFFFF, s13;
	s20 =	sxor.u32 @!p1 $0xFFFFFFFF, s13  }
0x42: {  	s16 =	ssub.s32 @!p1 s16, s17;
	s17 =	sshll.u32 @!p1 s20, $0xE;
	s18 =	ssub.s32 @!p1 s18, s19  }
0x43: {  	s19 =	sshrl.u32 @!p1 s16, $0x3;
	s16 =	sand.u32 @!p1 $0x7, s16;
	s18 =	smul.u32 @!p1 $0x30, s18  }
0x44: {  	s17 =	sand.u32 @!p1 $0x4000, s17;
	s19 =	sadd.s32 @!p1 s6, s19;
	s16 =	sshll.u32 @!p1 s16, $0x12  }
0x45: {  	s16 =	sor.u32 @!p1 $0x400, s16;
	s18 =	sadd.s32 @!p1 s18, s19;
	s19 =	simm.s32 @!p1 $0xC00  }
0x46: {  	[tilespmem:s17], [sflag:$0x1] =	stream.strided.gather @!p1 [hbm4b:s18+s16], $0x4000, s19, s16, $0x38;
	[tilespmem:$0x10100] =	vst v63  }
0x47: {  	p1 =	sge.u32 s31, s5  }
.Ltmp2:
0x48: {  	_ = 	snop;
	(pc) =	sbr.rel @p1 .LBB1_5-.Ltmp2, $1  }
0x49: {  	_ =	sdelay $0x3  }
0x4a: {  	s16 =	simm.s32 $0x1  }
0x4b: {  	_ =	swait.ge [sflag:s4], $0x4000;
	s16 =	simm.s32 @!p0 $0x0  }
0x4c: {  	[sflag:s4] =	ssyncset.done $0x0;
	s17 =	sshll.u32 s16, $0xE  }
0x4d: {  	[sflag:s4] =	ssyncadd.s32 $0xFFFFC000;
	s17 =	sor.u32 $0x40, s17  }
0x4e: {  	s16 =	smul.u32 $0x10200, s16;
	v0 =	vld [tilespmem:s17+$0x30]  }
0x4f: {  	v1 =	vld [tilespmem:s17+$0xFFFFFFD0]  }
0x50: {  	s16 =	sshrl.u32 s16, $0x2;
	v5 =	vld [tilespmem:s17+$0xFFFFFFE0]  }
0x51: {  	v6 =	vld [tilespmem:s17+$0xFFFFFFF0];
	s19 =	sor.u32 $0x8000, s16  }
0x52: {  	s31 =	sand.u32 $0x1, s13;
	v4 =	vld [tilespmem:s17+$0x0];
	s18 =	sadd.s32 $0x0, s19  }
0x53: {  	v3 =	vld [tilespmem:s17+$0x10];
	s16 =	smul.u32 $0x10200, s31;
	[tilespmem:s18+$0x3870 ss:$0x81] =	vst.msk $0xffff, v0  }
0x54: {  	v2 =	vld [tilespmem:s17+$0x20];
	[tilespmem:s18+$0x810 ss:$0x81] =	vst.msk $0xffff, v1  }
0x55: {  	s16 =	sshrl.u32 s16, $0x2;
	v0 =	vld [tilespmem:s17+$0xFFFFFFC0];
	[tilespmem:s18+$0x1020 ss:$0x81] =	vst.msk $0xffff, v5;
	s17 =	sadd.s32 $0x80, s17  }
0x56: {  	s20 =	simm.s32 $0x4;
	s21 =	simm.s32 $0x8;
	s16 =	sor.u32 $0x8000, s16;
	[tilespmem:s18+$0x1830 ss:$0x81] =	vst.msk $0xffff, v6;
	v1 =	vld [tilespmem:s17+$0x30]  }
.LBB1_3:
0x57: {  	p1 =	sne.s32 s21, $0x1FC;
	v5 =	vld [tilespmem:s17+$0xFFFFFFD0];
	[tilespmem:s18+$0x2040 ss:$0x81] =	vst.msk $0xffff, v4  }
0x58: {  	v6 =	vld [tilespmem:s17+$0xFFFFFFE0];
	[tilespmem:s18+$0x2850 ss:$0x81] =	vst.msk $0xffff, v3  }
0x59: {  	s22 =	sshra.s32 s20, $0x2;
	s20 =	smov.u32 s21;
	v7 =	vld [tilespmem:s17+$0xFFFFFFF0];
	[tilespmem:s18+$0x3060 ss:$0x81] =	vst.msk $0xffff, v2  }
.Ltmp3:
0x5a: {  	v4 =	vld [tilespmem:s17+$0x0];
	[tilespmem:s18+$0x0 ss:$0x81] =	vst.msk $0xffff, v0;
	s18 =	sadd.s32 s22, s19;
	(pc) =	sbr.rel @p1 .LBB1_3-.Ltmp3, $4  }
0x5b: {  	v3 =	vld [tilespmem:s17+$0x10];
	[tilespmem:s18+$0x3870 ss:$0x81] =	vst.msk $0xffff, v1  }
0x5c: {  	[tilespmem:s18+$0x810 ss:$0x81] =	vst.msk $0xffff, v5;
	v2 =	vld [tilespmem:s17+$0x20]  }
0x5d: {  	v0 =	vld [tilespmem:s17+$0xFFFFFFC0];
	[tilespmem:s18+$0x1020 ss:$0x81] =	vst.msk $0xffff, v6;
	s17 =	sadd.s32 $0x80, s17  }
0x5e: {  	s21 =	sadd.s32 $0x4, s21;
	v1 =	vld [tilespmem:s17+$0x30];
	[tilespmem:s18+$0x1830 ss:$0x81] =	vst.msk $0xffff, v7  }
.Ltmp4:
0x5f: {  	_ = 	snop;
	(pc) =	sbr.rel .LBB1_4-.Ltmp4, $1  }
0x60: {  	_ =	sdelay $0x3  }
.LBB1_6:
0x61: {  	_ =	sfence.sel $0x180000  }
0x62: {  	s2 =	simm.s32 $0x1;
	[bflag:$0x0] =	sbarrier.arrive $0xFFFF  }
0x63: {  	s31 =	simm.s32 $0x2;
	[sflag:s2] =	ssyncpa.u1 $0x1  }
0x64: {  	[sflag:s31] =	ssyncpa.u1 $0x1  }
0x65: {  	p0 =	sne.s32 s0, $0x0;
	_ =	strace $0x9000004A  }
0x66: {  	s0 =	sadd.s32 @!p0 $0x100000, s1;
	[bflag:$0x2] =	sbarrier.arrive $0xFFFF  }
0x67: {  	[sflag:s0] =	ssyncadd.tile.s32 @!p0 $0x1;
	_ =	shalt  }
.Lfunc_end1:
_tile_overlayer_lowered:
.L_overlay_start_2:
0x68: {  	(tag) =	ssettag $0x2  }
0x69: {  	s0 =	rddreg [dreg:$0x0];
	s2 =	stileid.u32  }
0x6a: {  	s1 =	rddreg [dreg:$0x1];
	p0 =	sne.s32 s2, $0x0  }
0x6b: {  	s3 =	rddreg [dreg:$0x2];
	[bflag:$0x3] =	sbarrier.arrive $0xFFFF;
	s2 =	simm.s32 @!p0 $0x1C01  }
0x6c: {  	[timem:s3], [sflag:s2] =	dma.local @!p0 [hbm:s0], s1  }
0x6d: {  	s0 =	simm.s32 @!p0 $0x1  }
0x6e: {  	_ =	swait.ge @!p0 [sflag:s0], s1  }
0x6f: {  	s1 =	ssub.s32 @!p0 $0x0, s1;
	[sflag:s0] =	ssyncset.done @!p0 $0x0  }
0x70: {  	[sflag:s0] =	ssyncadd.s32 @!p0 s1  }
0x71: {  	[bflag:$0x3] =	sbarrier.arrive $0xFFFF  }
0x72: {  	_ =	shalt  }

</sc_bundles>
